<compile_context>
chip_gen: v7x
topology: tpu7x:2x2x1
jax: 0.10.2.dev20260603
libtpu: 0.0.44.dev20260713+nightly
codegen_flags: <defaults>
</compile_context>

<pallas_src>
import functools

import jax
import jax.numpy as jnp
from jax import lax
from jax.experimental import pallas as pl
from jax.experimental.pallas import tpu as pltpu
from jax.experimental.pallas import tpu_sc as plsc

_B = 16
_Nc = 64
_Np = 128
_NPW = 32768
_C = 128
_PH = 1280
_CH = 56
_L = 1 + _Nc + 1 + _Np
_COORD_SCALE = 5.0
_DIS_THRES = 10.0


def _sc_gather(table, idx):
    n = idx.shape[0]
    d = table.shape[1]
    info = plsc.get_sparse_core_info()
    nw = info.num_cores * info.num_subcores
    b_per_w = n // nw
    mesh = plsc.VectorSubcoreMesh(core_axis_name="c", subcore_axis_name="s")

    @functools.partial(
        pl.kernel,
        mesh=mesh,
        out_type=jax.ShapeDtypeStruct((n, d), jnp.float32),
        scratch_types=[
            pltpu.VMEM((b_per_w,), jnp.int32),
            pltpu.VMEM((b_per_w, d), jnp.float32),
            pltpu.SemaphoreType.DMA,
        ],
    )
    def gather_kernel(table_hbm, idx_hbm, out_hbm, idx_v, rows_v, sem):
        wid = lax.axis_index("s") * info.num_cores + lax.axis_index("c")
        base = wid * b_per_w
        pltpu.sync_copy(idx_hbm.at[pl.ds(base, b_per_w)], idx_v)
        pltpu.async_copy(table_hbm.at[idx_v], rows_v, sem).wait()
        pltpu.sync_copy(rows_v, out_hbm.at[pl.ds(base, b_per_w)])

    return gather_kernel(table, idx)


def _tc_body(gath, cf, pcoord, pcoord_las, ccoord_t, ccoord_las_t,
             Wp, bp, Wc, bc, W1, b1, Wcoord, WcoordT, Wd1, bd1_col, Wd2, bd2,
             cco_t, pco, yp, ypc):
    f32 = jnp.float32
    inv_s = 1.0 / _COORD_SCALE
    g = gath[0]
    pe = jnp.dot(g, Wp[...], preferred_element_type=f32) + bp[...]
    ph = pe + jax.nn.gelu(
        jnp.dot(pe, W1[...], preferred_element_type=f32) + b1[...])
    ce = jnp.dot(cf[0], Wc[...], preferred_element_type=f32) + bc[...]
    ch = ce + jax.nn.gelu(
        jnp.dot(ce, W1[...], preferred_element_type=f32) + b1[...])

    pdelta_t = 0.01 * jnp.tanh(
        lax.dot_general(WcoordT[...], ph, (((1,), (1,)), ((), ())),
                        preferred_element_type=f32))
    pcn_t = pcoord[0] * inv_s
    pln_t = pcoord_las[0] * inv_s
    po_t = pcn_t + pdelta_t + 0.05 * (pln_t - pcn_t)
    pco[...] = po_t * _COORD_SCALE

    cdelta_t = 0.01 * jnp.tanh(
        lax.dot_general(WcoordT[...], ch, (((1,), (1,)), ((), ())),
                        preferred_element_type=f32))
    ccn_t = ccoord_t[0] * inv_s
    cln_t = ccoord_las_t[0] * inv_s
    co_t = ccn_t + cdelta_t + 0.05 * (cln_t - ccn_t)
    cco_t[0] = co_t * _COORD_SCALE

    pn2 = jnp.sum(po_t * po_t, axis=0, keepdims=True)
    cn2 = jnp.sum(co_t * co_t, axis=0, keepdims=True)
    paug = jnp.concatenate([po_t, pn2, jnp.ones((1, _Np), f32)], axis=0)
    caug = jnp.concatenate([-2.0 * co_t, jnp.ones((1, _Nc), f32), cn2],
                           axis=0)
    d2 = lax.dot_general(paug, caug, (((0,), (0,)), ((), ())),
                         preferred_element_type=f32,
                         precision=lax.Precision.HIGHEST)
    d2 = jnp.maximum(d2, 0.0)
    ypc[0] = jnp.clip(jnp.sqrt(d2 + 1e-12) * _COORD_SCALE, 0.0, _DIS_THRES)

    z = (ph[:, None, :] * ch[None, :, :]).reshape(_Np * _Nc, _C)
    tt = jnp.maximum(
        lax.dot_general(Wd1[...], z, (((0,), (1,)), ((), ())),
                        preferred_element_type=f32) + bd1_col[...], 0.0)
    s = jnp.sum(tt * Wd2[...], axis=0, keepdims=True) + bd2[...]
    yp[0] = jax.nn.sigmoid(s) * _DIS_THRES


def _full(arr_shape):
    nd = len(arr_shape)
    return pl.BlockSpec(arr_shape, lambda b: (0,) * nd)


def _tc_stage(gathered, compound_feats, pcoord, pcoord_las, ccoord_t,
              ccoord_las_t, Wp, bp, Wc, bc, W1, b1, Wcoord, WcoordT,
              Wd1, bd1, Wd2, bd2):
    out_shapes = (
        jax.ShapeDtypeStruct((_B, 3, _Nc), jnp.float32),
        jax.ShapeDtypeStruct((3, _B * _Np), jnp.float32),
        jax.ShapeDtypeStruct((_B, 1, _Np * _Nc), jnp.float32),
        jax.ShapeDtypeStruct((_B, _Np, _Nc), jnp.float32),
    )
    in_specs = [
        pl.BlockSpec((1, _Np, _PH), lambda b: (b, 0, 0)),
        pl.BlockSpec((1, _Nc, _CH), lambda b: (b, 0, 0)),
        pl.BlockSpec((1, 3, _Np), lambda b: (b, 0, 0)),
        pl.BlockSpec((1, 3, _Np), lambda b: (b, 0, 0)),
        pl.BlockSpec((1, 3, _Nc), lambda b: (b, 0, 0)),
        pl.BlockSpec((1, 3, _Nc), lambda b: (b, 0, 0)),
        _full(Wp.shape), _full(bp.shape), _full(Wc.shape), _full(bc.shape),
        _full(W1.shape), _full(b1.shape), _full(Wcoord.shape),
        _full(WcoordT.shape), _full(Wd1.shape), _full(bd1.shape),
        _full(Wd2.shape), _full(bd2.shape),
    ]
    out_specs = (
        pl.BlockSpec((1, 3, _Nc), lambda b: (b, 0, 0)),
        pl.BlockSpec((3, _Np), lambda b: (0, b)),
        pl.BlockSpec((1, 1, _Np * _Nc), lambda b: (b, 0, 0)),
        pl.BlockSpec((1, _Np, _Nc), lambda b: (b, 0, 0)),
    )
    return pl.pallas_call(
        _tc_body,
        grid=(_B,),
        in_specs=in_specs,
        out_specs=out_specs,
        out_shape=out_shapes,
        compiler_params=pltpu.CompilerParams(
            dimension_semantics=("arbitrary",)),
    )(gathered, compound_feats, pcoord, pcoord_las, ccoord_t, ccoord_las_t,
      Wp, bp, Wc, bc, W1, b1, Wcoord, WcoordT, Wd1, bd1, Wd2, bd2)


def kernel(protein_feats, compound_feats, pocket_idx, complex_coords,
           complex_coords_LAS, dis_map, glb_c, glb_p, Wp, bp, Wc, bc,
           W1, b1, Wcoord, Wd1, bd1, Wd2, bd2):
    gathered = _sc_gather(protein_feats, pocket_idx.astype(jnp.int32))
    gathered = gathered.reshape(_B, _Np, _PH)

    cf = compound_feats.reshape(_B, _Nc, _CH)
    coords = complex_coords.reshape(_B, _L, 3)
    coords_las = complex_coords_LAS.reshape(_B, _L, 3)
    pcoord = coords[:, 2 + _Nc:2 + _Nc + _Np, :].transpose(0, 2, 1)
    pcoord_las = coords_las[:, 2 + _Nc:2 + _Nc + _Np, :].transpose(0, 2, 1)
    ccoord_t = coords[:, 1:1 + _Nc, :].transpose(0, 2, 1)
    ccoord_las_t = coords_las[:, 1:1 + _Nc, :].transpose(0, 2, 1)

    bp2 = bp.reshape(1, _C)
    bc2 = bc.reshape(1, _C)
    b12 = b1.reshape(1, _C)
    bd12 = bd1.reshape(_C, 1)
    bd22 = bd2.reshape(1, 1)
    WcoordT = Wcoord.T

    cco_t, pco, yp, ypc = _tc_stage(
        gathered, cf, pcoord, pcoord_las, ccoord_t, ccoord_las_t,
        Wp, bp2, Wc, bc2, W1, b12, Wcoord, WcoordT, Wd1, bd12, Wd2, bd22)

    compound_coords_out = cco_t.transpose(0, 2, 1).reshape(_B * _Nc, 3)
    pocket_coords_out = pco.T
    y_pred = yp.reshape(-1)
    y_pred_by_coords = ypc.reshape(-1)
    return (compound_coords_out, pocket_coords_out, y_pred,
            y_pred_by_coords, dis_map)

# --- scband reference (transcript-rebuilt; emitter-appended) ---
"""Pipeline reference for scband-fabind-protein-complex-27109833572511 (READ-ONLY COPY).

The authoritative reference and input builder live on the scoring server;
editing this copy changes nothing except your own understanding.
"""

import jax, jax.numpy as jnp
import numpy as np

B = 16; Nc = 64; Np = 128; NPW = 32768
C = 128; PH = 1280; CH = 56
L = 1 + Nc + 1 + Np
COORD_SCALE = 5.0
DIS_THRES = 10.0


def setup_inputs(seed: int = 0):
    key = jax.random.key(seed)
    ks = jax.random.split(key, 16)
    inp = {}
    inp["protein_feats"] = jax.random.normal(ks[0], (NPW, PH), dtype=jnp.float32)
    inp["compound_feats"] = jax.random.normal(ks[1], (B * Nc, CH), dtype=jnp.float32)
    inp["pocket_idx"] = jnp.sort(jax.random.randint(ks[2], (B * Np,), 0, NPW))
    inp["complex_coords"] = jax.random.normal(ks[3], (B * L, 3), dtype=jnp.float32)
    inp["complex_coords_LAS"] = jax.random.normal(ks[4], (B * L, 3), dtype=jnp.float32)
    inp["dis_map"] = jax.random.uniform(ks[5], (B * Np * Nc,), dtype=jnp.float32) * DIS_THRES
    s = 0.05
    inp["glb_c"] = jnp.ones((1, C), dtype=jnp.float32)
    inp["glb_p"] = jnp.ones((1, C), dtype=jnp.float32)
    inp["Wp"] = jax.random.normal(ks[6], (PH, C), dtype=jnp.float32) * 0.001
    inp["bp"] = jnp.zeros((C,), dtype=jnp.float32)
    inp["Wc"] = jax.random.normal(ks[7], (CH, C), dtype=jnp.float32) * 0.001
    inp["bc"] = jnp.zeros((C,), dtype=jnp.float32)
    inp["W1"] = jax.random.normal(ks[8], (C, C), dtype=jnp.float32) * s
    inp["b1"] = jnp.zeros((C,), dtype=jnp.float32)
    inp["Wcoord"] = jax.random.normal(ks[9], (C, 3), dtype=jnp.float32) * s
    inp["Wd1"] = jax.random.normal(ks[10], (C, C), dtype=jnp.float32) * s
    inp["bd1"] = jnp.zeros((C,), dtype=jnp.float32)
    inp["Wd2"] = jax.random.normal(ks[11], (C, 1), dtype=jnp.float32) * s
    inp["bd2"] = jnp.zeros((1,), dtype=jnp.float32)
    return inp


def reference(protein_feats, compound_feats, pocket_idx, complex_coords,
              complex_coords_LAS, dis_map, glb_c, glb_p, Wp, bp, Wc, bc,
              W1, b1, Wcoord, Wd1, bd1, Wd2, bd2):
    normalize = lambda x: x / COORD_SCALE
    unnormalize = lambda x: x * COORD_SCALE
    coords = normalize(complex_coords)
    coords_LAS = normalize(complex_coords_LAS)
    # keepNode gather from whole-protein feature table (memory-bound)
    pocket_emb = jnp.take(protein_feats, pocket_idx, axis=0) @ Wp + bp
    compound_emb = compound_feats @ Wc + bc
    # ragged per-sample concat [glb_c, compound_i, glb_p, pocket_i]
    comp_r = compound_emb.reshape(B, Nc, C)
    pock_r = pocket_emb.reshape(B, Np, C)
    glb_c_b = jnp.broadcast_to(glb_c[None, :, :], (B, 1, C))
    glb_p_b = jnp.broadcast_to(glb_p[None, :, :], (B, 1, C))
    new_samples = jnp.concatenate([glb_c_b, comp_r, glb_p_b, pock_r], axis=1).reshape(B * L, C)
    # simplified EfficientMCAttModel: residual token mix + E(3)-style coord update
    h = new_samples + jax.nn.gelu(new_samples @ W1 + b1)
    delta = jnp.tanh(h @ Wcoord) * 0.01
    coords_out = coords + delta + 0.05 * (coords_LAS - coords)
    # masked select of non-global compound / pocket tokens (static gather indices)
    compound_sel = np.concatenate([b * L + 1 + np.arange(Nc) for b in range(B)])
    pocket_sel = np.concatenate([b * L + 2 + Nc + np.arange(Np) for b in range(B)])
    compound_out = jnp.take(h, compound_sel, axis=0)
    pocket_out = jnp.take(h, pocket_sel, axis=0)
    compound_coords_out = jnp.take(coords_out, compound_sel, axis=0)
    pocket_coords_out = jnp.take(coords_out, pocket_sel, axis=0)
    # to_dense_batch (uniform lengths -> reshape)
    pocket_dense = pocket_out.reshape(B, Np, C)
    compound_dense = compound_out.reshape(B, Nc, C)
    pc = pocket_coords_out.reshape(B, Np, 3)
    cc = compound_coords_out.reshape(B, Nc, 3)
    d2 = jnp.sum((pc[:, :, None, :] - cc[:, None, :, :]) ** 2, axis=-1)
    pocket_com_dis_map = jnp.sqrt(d2 + 1e-12)
    # pair embedding z (pocket x compound) + distmap MLP
    z = pocket_dense[:, :, None, :] * compound_dense[:, None, :, :]
    bmap = (jax.nn.relu(z @ Wd1 + bd1) @ Wd2 + bd2)[..., 0]
    y_pred = jax.nn.sigmoid(bmap.reshape(-1)) * DIS_THRES
    y_pred_by_coords = jnp.clip(unnormalize(pocket_com_dis_map.reshape(-1)), 0.0, DIS_THRES)
    return (unnormalize(compound_coords_out), unnormalize(pocket_coords_out),
            y_pred, y_pred_by_coords, dis_map)

if __name__ == "__main__":
    import jax
    _d = setup_inputs()
    print(jax.jit(kernel)(*tuple(_d.values())))

</pallas_src>

<mosaic_0001>
#map = affine_map<(d0, d1) -> (0, 0)>
#map1 = affine_map<(d0, d1) -> (0)>
module attributes {stable_mosaic.version = 14 : i64} {
  func.func @gather_kernel(%arg0: i32, %arg1: i32, %arg2: memref<32768x1280xf32, #tpu.memory_space<hbm>>, %arg3: memref<2048xi32, #tpu.memory_space<hbm>>, %arg4: memref<2048x1280xf32, #tpu.memory_space<hbm>>, %arg5: memref<64xi32, #tpu.memory_space<vmem>>, %arg6: memref<64x1280xf32, #tpu.memory_space<vmem>>, %arg7: memref<!tpu.dma_semaphore, #tpu.memory_space<semaphore_mem>>) attributes {dimension_semantics = [#tpu.dimension_semantics<core_parallel>, #tpu.dimension_semantics<subcore_parallel>], iteration_bounds = array<i64: 2, 16>, scalar_prefetch = 0 : i64, scratch_operands = 3 : i64, tpu.core_type = #tpu.core_type<sc_vector_subcore>, window_params = [{transform_indices = #map}, {transform_indices = #map1}, {transform_indices = #map}]} {
    %mul3A = arith.constant 2 : i32
    %mul3A_0 = arith.muli %arg1, %mul3A : i32
    %add3A = arith.addi %mul3A_0, %arg0 : i32
    %mul3A_1 = arith.constant 64 : i32
    %mul3A_2 = arith.muli %add3A, %mul3A_1 : i32
    "tpu.region"() ({
      %run_scoped3A = tpu.sem_alloc : memref<!tpu.dma_semaphore, #tpu.memory_space<semaphore_mem>>
      %dma_start3A_7 = tpu.memref_slice %arg3[%mul3A_2] : memref<2048xi32, #tpu.memory_space<hbm>> -> memref<64xi32, #tpu.memory_space<hbm>>
      %dma_start3A_8 = tpu.memref_slice %arg3[%mul3A_2] : memref<2048xi32, #tpu.memory_space<hbm>> -> memref<64xi32, #tpu.memory_space<hbm>>
      tpu.enqueue_dma source(%dma_start3A_8 : memref<64xi32, #tpu.memory_space<hbm>>) target(%arg5 : memref<64xi32, #tpu.memory_space<vmem>>) target_semaphore(%run_scoped3A : memref<!tpu.dma_semaphore, #tpu.memory_space<semaphore_mem>>)
      %dma_wait3A_9 = tpu.memref_slice %arg3[%mul3A_2] : memref<2048xi32, #tpu.memory_space<hbm>> -> memref<64xi32, #tpu.memory_space<hbm>>
      %dma_wait3A_10 = tpu.memref_slice %arg3[%mul3A_2] : memref<2048xi32, #tpu.memory_space<hbm>> -> memref<64xi32, #tpu.memory_space<hbm>>
      tpu.wait_dma2 semaphore(%run_scoped3A : memref<!tpu.dma_semaphore, #tpu.memory_space<semaphore_mem>>) src(%dma_wait3A_10 : memref<64xi32, #tpu.memory_space<hbm>>) dst(%arg5 : memref<64xi32, #tpu.memory_space<vmem>>)
      tpu.yield
    }) : () -> ()
    %dma_start3A = arith.constant 0 : i32
    %dma_start3A_3 = arith.constant 0 : i32
    %dma_start3A_4 = tpu.memref_slice %arg2[%dma_start3A, %dma_start3A_3] : memref<32768x1280xf32, #tpu.memory_space<hbm>> -> memref<32768x1280xf32, #tpu.memory_space<hbm>>
    tpu.enqueue_indirect_dma source(%dma_start3A_4 : memref<32768x1280xf32, #tpu.memory_space<hbm>>) target(%arg6 : memref<64x1280xf32, #tpu.memory_space<vmem>>) offsets(%arg5 : memref<64xi32, #tpu.memory_space<vmem>>) semaphore(%arg7 : memref<!tpu.dma_semaphore, #tpu.memory_space<semaphore_mem>>)
    %dma_wait3A = arith.constant 0 : i32
    %dma_wait3A_5 = arith.constant 0 : i32
    %dma_wait3A_6 = tpu.memref_slice %arg2[%dma_wait3A, %dma_wait3A_5] : memref<32768x1280xf32, #tpu.memory_space<hbm>> -> memref<32768x1280xf32, #tpu.memory_space<hbm>>
    tpu.wait_indirect_dma semaphore(%arg7 : memref<!tpu.dma_semaphore, #tpu.memory_space<semaphore_mem>>) src(%dma_wait3A_6 : memref<32768x1280xf32, #tpu.memory_space<hbm>>) dst(%arg6 : memref<64x1280xf32, #tpu.memory_space<vmem>>)
    "tpu.region"() ({
      %run_scoped3A = tpu.sem_alloc : memref<!tpu.dma_semaphore, #tpu.memory_space<semaphore_mem>>
      %dma_start3A_7 = arith.constant 0 : i32
      %dma_start3A_8 = tpu.memref_slice %arg4[%mul3A_2, %dma_start3A_7] : memref<2048x1280xf32, #tpu.memory_space<hbm>> -> memref<64x1280xf32, #tpu.memory_space<hbm>>
      %dma_start3A_9 = arith.constant 0 : i32
      %dma_start3A_10 = tpu.memref_slice %arg4[%mul3A_2, %dma_start3A_9] : memref<2048x1280xf32, #tpu.memory_space<hbm>> -> memref<64x1280xf32, #tpu.memory_space<hbm>>
      tpu.enqueue_dma source(%arg6 : memref<64x1280xf32, #tpu.memory_space<vmem>>) target(%dma_start3A_10 : memref<64x1280xf32, #tpu.memory_space<hbm>>) target_semaphore(%run_scoped3A : memref<!tpu.dma_semaphore, #tpu.memory_space<semaphore_mem>>)
      %dma_wait3A_11 = arith.constant 0 : i32
      %dma_wait3A_12 = tpu.memref_slice %arg4[%mul3A_2, %dma_wait3A_11] : memref<2048x1280xf32, #tpu.memory_space<hbm>> -> memref<64x1280xf32, #tpu.memory_space<hbm>>
      %dma_wait3A_13 = arith.constant 0 : i32
      %dma_wait3A_14 = tpu.memref_slice %arg4[%mul3A_2, %dma_wait3A_13] : memref<2048x1280xf32, #tpu.memory_space<hbm>> -> memref<64x1280xf32, #tpu.memory_space<hbm>>
      tpu.wait_dma2 semaphore(%run_scoped3A : memref<!tpu.dma_semaphore, #tpu.memory_space<semaphore_mem>>) src(%arg6 : memref<64x1280xf32, #tpu.memory_space<vmem>>) dst(%dma_wait3A_14 : memref<64x1280xf32, #tpu.memory_space<hbm>>)
      tpu.yield
    }) : () -> ()
    return
  }
}

module attributes {stable_mosaic.version = 14 : i64} {
  func.func @_tc_body(%arg0: i32, %arg1: memref<1x128x1280xf32, #tpu.memory_space<vmem>>, %arg2: memref<1x64x56xf32, #tpu.memory_space<vmem>>, %arg3: memref<1x3x128xf32, #tpu.memory_space<vmem>>, %arg4: memref<1x3x128xf32, #tpu.memory_space<vmem>>, %arg5: memref<1x3x64xf32, #tpu.memory_space<vmem>>, %arg6: memref<1x3x64xf32, #tpu.memory_space<vmem>>, %arg7: memref<1280x128xf32, #tpu.memory_space<vmem>>, %arg8: memref<1x128xf32, #tpu.memory_space<vmem>>, %arg9: memref<56x128xf32, #tpu.memory_space<vmem>>, %arg10: memref<1x128xf32, #tpu.memory_space<vmem>>, %arg11: memref<128x128xf32, #tpu.memory_space<vmem>>, %arg12: memref<1x128xf32, #tpu.memory_space<vmem>>, %arg13: memref<128x3xf32, #tpu.memory_space<vmem>>, %arg14: memref<3x128xf32, #tpu.memory_space<vmem>>, %arg15: memref<128x128xf32, #tpu.memory_space<vmem>>, %arg16: memref<128x1xf32, #tpu.memory_space<vmem>>, %arg17: memref<128x1xf32, #tpu.memory_space<vmem>>, %arg18: memref<1x1xf32, #tpu.memory_space<vmem>>, %arg19: memref<1x3x64xf32, #tpu.memory_space<vmem>>, %arg20: memref<3x128xf32, #tpu.memory_space<vmem>>, %arg21: memref<1x1x8192xf32, #tpu.memory_space<vmem>>, %arg22: memref<1x128x64xf32, #tpu.memory_space<vmem>>) attributes {dimension_semantics = [#tpu.dimension_semantics<arbitrary>], iteration_bounds = array<i64: 16>, scalar_prefetch = 0 : i64, scratch_operands = 0 : i64, tpu.core_type = #tpu.core_type<tc>, window_params = [{transform_indices = @transform_0, window_bounds = array<i64: 1, 128, 1280>}, {transform_indices = @transform_1, window_bounds = array<i64: 1, 64, 56>}, {transform_indices = @transform_2, window_bounds = array<i64: 1, 3, 128>}, {transform_indices = @transform_3, window_bounds = array<i64: 1, 3, 128>}, {transform_indices = @transform_4, window_bounds = array<i64: 1, 3, 64>}, {transform_indices = @transform_5, window_bounds = array<i64: 1, 3, 64>}, {pipeline_mode = #tpu.pipeline_mode<synchronous>, transform_indices = @transform_6, window_bounds = array<i64: 1280, 128>}, {pipeline_mode = #tpu.pipeline_mode<synchronous>, transform_indices = @transform_7, window_bounds = array<i64: 1, 128>}, {pipeline_mode = #tpu.pipeline_mode<synchronous>, transform_indices = @transform_8, window_bounds = array<i64: 56, 128>}, {pipeline_mode = #tpu.pipeline_mode<synchronous>, transform_indices = @transform_9, window_bounds = array<i64: 1, 128>}, {pipeline_mode = #tpu.pipeline_mode<synchronous>, transform_indices = @transform_10, window_bounds = array<i64: 128, 128>}, {pipeline_mode = #tpu.pipeline_mode<synchronous>, transform_indices = @transform_11, window_bounds = array<i64: 1, 128>}, {pipeline_mode = #tpu.pipeline_mode<synchronous>, transform_indices = @transform_12, window_bounds = array<i64: 128, 3>}, {pipeline_mode = #tpu.pipeline_mode<synchronous>, transform_indices = @transform_13, window_bounds = array<i64: 3, 128>}, {pipeline_mode = #tpu.pipeline_mode<synchronous>, transform_indices = @transform_14, window_bounds = array<i64: 128, 128>}, {pipeline_mode = #tpu.pipeline_mode<synchronous>, transform_indices = @transform_15, window_bounds = array<i64: 128, 1>}, {pipeline_mode = #tpu.pipeline_mode<synchronous>, transform_indices = @transform_16, window_bounds = array<i64: 128, 1>}, {pipeline_mode = #tpu.pipeline_mode<synchronous>, transform_indices = @transform_17, window_bounds = array<i64: 1, 1>}, {transform_indices = @transform_18, window_bounds = array<i64: 1, 3, 64>}, {transform_indices = @transform_19, window_bounds = array<i64: 3, 128>}, {transform_indices = @transform_20, window_bounds = array<i64: 1, 1, 8192>}, {transform_indices = @transform_21, window_bounds = array<i64: 1, 128, 64>}]} {
    %get3A = arith.constant 0 : index
    %get3A_0 = arith.constant 0 : index
    %get3A_1 = arith.constant 0 : index
    %get3A_2 = vector.load %arg1[%get3A, %get3A_0, %get3A_1] : memref<1x128x1280xf32, #tpu.memory_space<vmem>>, vector<1x128x1280xf32>
    %get3A_3 = vector.shape_cast %get3A_2 : vector<1x128x1280xf32> to vector<128x1280xf32>
    %get3A_4 = arith.constant 0 : index
    %get3A_5 = arith.constant 0 : index
    %get3A_6 = vector.load %arg7[%get3A_4, %get3A_5] : memref<1280x128xf32, #tpu.memory_space<vmem>>, vector<1280x128xf32>
    %dot_general3A = arith.constant dense<0.000000e+00> : vector<128x128xf32>
    %dot_general3A_7 = tpu.matmul %get3A_3, %get3A_6, %dot_general3A {dimension_numbers = #tpu.dot_dimension_numbers<[1], [0], [0], [1], [0, 0, 1, 1], [], []>, transpose_lhs_hint = false} : vector<128x1280xf32>, vector<1280x128xf32>, vector<128x128xf32> -> vector<128x128xf32>
    %get3A_8 = arith.constant 0 : index
    %get3A_9 = arith.constant 0 : index
    %get3A_10 = vector.load %arg8[%get3A_8, %get3A_9] : memref<1x128xf32, #tpu.memory_space<vmem>>, vector<1x128xf32>
    %add3A = vector.broadcast %get3A_10 : vector<1x128xf32> to vector<128x128xf32>
    %add3A_11 = arith.addf %dot_general3A_7, %add3A : vector<128x128xf32>
    %get3A_12 = arith.constant 0 : index
    %get3A_13 = arith.constant 0 : index
    %get3A_14 = vector.load %arg11[%get3A_12, %get3A_13] : memref<128x128xf32, #tpu.memory_space<vmem>>, vector<128x128xf32>
    %dot_general3A_15 = arith.constant dense<0.000000e+00> : vector<128x128xf32>
    %dot_general3A_16 = tpu.matmul %add3A_11, %get3A_14, %dot_general3A_15 {dimension_numbers = #tpu.dot_dimension_numbers<[1], [0], [0], [1], [0, 0, 1, 1], [], []>, transpose_lhs_hint = false} : vector<128x128xf32>, vector<128x128xf32>, vector<128x128xf32> -> vector<128x128xf32>
    %get3A_17 = arith.constant 0 : index
    %get3A_18 = arith.constant 0 : index
    %get3A_19 = vector.load %arg12[%get3A_17, %get3A_18] : memref<1x128xf32, #tpu.memory_space<vmem>>, vector<1x128xf32>
    %add3A_20 = vector.broadcast %get3A_19 : vector<1x128xf32> to vector<128x128xf32>
    %add3A_21 = arith.addf %dot_general3A_16, %add3A_20 : vector<128x128xf32>
    %integer_pow3A = arith.mulf %add3A_21, %add3A_21 : vector<128x128xf32>
    %integer_pow3A_22 = arith.mulf %add3A_21, %integer_pow3A : vector<128x128xf32>
    %mul3A = arith.constant 4.471500e-02 : f32
    %mul3A_23 = vector.broadcast %mul3A : f32 to vector<128x128xf32>
    %mul3A_24 = arith.mulf %mul3A_23, %integer_pow3A_22 : vector<128x128xf32>
    %add3A_25 = arith.addf %add3A_21, %mul3A_24 : vector<128x128xf32>
    %mul3A_26 = arith.constant 0.797884583 : f32
    %mul3A_27 = vector.broadcast %mul3A_26 : f32 to vector<128x128xf32>
    %mul3A_28 = arith.mulf %mul3A_27, %add3A_25 : vector<128x128xf32>
    %tanh3A = math.tanh %mul3A_28 : vector<128x128xf32>
    %add3A_29 = arith.constant 1.000000e+00 : f32
    %add3A_30 = vector.broadcast %add3A_29 : f32 to vector<128x128xf32>
    %add3A_31 = arith.addf %add3A_30, %tanh3A : vector<128x128xf32>
    %mul3A_32 = arith.constant 5.000000e-01 : f32
    %mul3A_33 = vector.broadcast %mul3A_32 : f32 to vector<128x128xf32>
    %mul3A_34 = arith.mulf %mul3A_33, %add3A_31 : vector<128x128xf32>
    %mul3A_35 = arith.mulf %add3A_21, %mul3A_34 : vector<128x128xf32>
    %add3A_36 = arith.addf %add3A_11, %mul3A_35 : vector<128x128xf32>
    %get3A_37 = arith.constant 0 : index
    %get3A_38 = arith.constant 0 : index
    %get3A_39 = arith.constant 0 : index
    %get3A_40 = vector.load %arg2[%get3A_37, %get3A_38, %get3A_39] : memref<1x64x56xf32, #tpu.memory_space<vmem>>, vector<1x64x56xf32>
    %get3A_41 = vector.shape_cast %get3A_40 : vector<1x64x56xf32> to vector<64x56xf32>
    %get3A_42 = arith.constant 0 : index
    %get3A_43 = arith.constant 0 : index
    %get3A_44 = vector.load %arg9[%get3A_42, %get3A_43] : memref<56x128xf32, #tpu.memory_space<vmem>>, vector<56x128xf32>
    %dot_general3A_45 = arith.constant dense<0.000000e+00> : vector<64x128xf32>
    %dot_general3A_46 = tpu.matmul %get3A_41, %get3A_44, %dot_general3A_45 {dimension_numbers = #tpu.dot_dimension_numbers<[1], [0], [0], [1], [0, 0, 1, 1], [], []>, transpose_lhs_hint = false} : vector<64x56xf32>, vector<56x128xf32>, vector<64x128xf32> -> vector<64x128xf32>
    %get3A_47 = arith.constant 0 : index
    %get3A_48 = arith.constant 0 : index
    %get3A_49 = vector.load %arg10[%get3A_47, %get3A_48] : memref<1x128xf32, #tpu.memory_space<vmem>>, vector<1x128xf32>
    %add3A_50 = vector.broadcast %get3A_49 : vector<1x128xf32> to vector<64x128xf32>
    %add3A_51 = arith.addf %dot_general3A_46, %add3A_50 : vector<64x128xf32>
    %get3A_52 = arith.constant 0 : index
    %get3A_53 = arith.constant 0 : index
    %get3A_54 = vector.load %arg11[%get3A_52, %get3A_53] : memref<128x128xf32, #tpu.memory_space<vmem>>, vector<128x128xf32>
    %dot_general3A_55 = arith.constant dense<0.000000e+00> : vector<64x128xf32>
    %dot_general3A_56 = tpu.matmul %add3A_51, %get3A_54, %dot_general3A_55 {dimension_numbers = #tpu.dot_dimension_numbers<[1], [0], [0], [1], [0, 0, 1, 1], [], []>, transpose_lhs_hint = false} : vector<64x128xf32>, vector<128x128xf32>, vector<64x128xf32> -> vector<64x128xf32>
    %get3A_57 = arith.constant 0 : index
    %get3A_58 = arith.constant 0 : index
    %get3A_59 = vector.load %arg12[%get3A_57, %get3A_58] : memref<1x128xf32, #tpu.memory_space<vmem>>, vector<1x128xf32>
    %add3A_60 = vector.broadcast %get3A_59 : vector<1x128xf32> to vector<64x128xf32>
    %add3A_61 = arith.addf %dot_general3A_56, %add3A_60 : vector<64x128xf32>
    %integer_pow3A_62 = arith.mulf %add3A_61, %add3A_61 : vector<64x128xf32>
    %integer_pow3A_63 = arith.mulf %add3A_61, %integer_pow3A_62 : vector<64x128xf32>
    %mul3A_64 = arith.constant 4.471500e-02 : f32
    %mul3A_65 = vector.broadcast %mul3A_64 : f32 to vector<64x128xf32>
    %mul3A_66 = arith.mulf %mul3A_65, %integer_pow3A_63 : vector<64x128xf32>
    %add3A_67 = arith.addf %add3A_61, %mul3A_66 : vector<64x128xf32>
    %mul3A_68 = arith.constant 0.797884583 : f32
    %mul3A_69 = vector.broadcast %mul3A_68 : f32 to vector<64x128xf32>
    %mul3A_70 = arith.mulf %mul3A_69, %add3A_67 : vector<64x128xf32>
    %tanh3A_71 = math.tanh %mul3A_70 : vector<64x128xf32>
    %add3A_72 = arith.constant 1.000000e+00 : f32
    %add3A_73 = vector.broadcast %add3A_72 : f32 to vector<64x128xf32>
    %add3A_74 = arith.addf %add3A_73, %tanh3A_71 : vector<64x128xf32>
    %mul3A_75 = arith.constant 5.000000e-01 : f32
    %mul3A_76 = vector.broadcast %mul3A_75 : f32 to vector<64x128xf32>
    %mul3A_77 = arith.mulf %mul3A_76, %add3A_74 : vector<64x128xf32>
    %mul3A_78 = arith.mulf %add3A_61, %mul3A_77 : vector<64x128xf32>
    %add3A_79 = arith.addf %add3A_51, %mul3A_78 : vector<64x128xf32>
    %get3A_80 = arith.constant 0 : index
    %get3A_81 = arith.constant 0 : index
    %get3A_82 = vector.load %arg14[%get3A_80, %get3A_81] : memref<3x128xf32, #tpu.memory_space<vmem>>, vector<3x128xf32>
    %dot_general3A_83 = arith.constant dense<0.000000e+00> : vector<3x128xf32>
    %dot_general3A_84 = tpu.matmul %get3A_82, %add3A_36, %dot_general3A_83 {dimension_numbers = #tpu.dot_dimension_numbers<[1], [1], [0], [0], [0, 0, 1, 0], [], []>, transpose_lhs_hint = false} : vector<3x128xf32>, vector<128x128xf32>, vector<3x128xf32> -> vector<3x128xf32>
    %tanh3A_85 = math.tanh %dot_general3A_84 : vector<3x128xf32>
    %mul3A_86 = arith.constant 0.00999999977 : f32
    %mul3A_87 = vector.broadcast %mul3A_86 : f32 to vector<3x128xf32>
    %mul3A_88 = arith.mulf %mul3A_87, %tanh3A_85 : vector<3x128xf32>
    %get3A_89 = arith.constant 0 : index
    %get3A_90 = arith.constant 0 : index
    %get3A_91 = arith.constant 0 : index
    %get3A_92 = vector.load %arg3[%get3A_89, %get3A_90, %get3A_91] : memref<1x3x128xf32, #tpu.memory_space<vmem>>, vector<1x3x128xf32>
    %get3A_93 = vector.shape_cast %get3A_92 : vector<1x3x128xf32> to vector<3x128xf32>
    %mul3A_94 = arith.constant 2.000000e-01 : f32
    %mul3A_95 = vector.broadcast %mul3A_94 : f32 to vector<3x128xf32>
    %mul3A_96 = arith.mulf %get3A_93, %mul3A_95 : vector<3x128xf32>
    %get3A_97 = arith.constant 0 : index
    %get3A_98 = arith.constant 0 : index
    %get3A_99 = arith.constant 0 : index
    %get3A_100 = vector.load %arg4[%get3A_97, %get3A_98, %get3A_99] : memref<1x3x128xf32, #tpu.memory_space<vmem>>, vector<1x3x128xf32>
    %get3A_101 = vector.shape_cast %get3A_100 : vector<1x3x128xf32> to vector<3x128xf32>
    %mul3A_102 = arith.constant 2.000000e-01 : f32
    %mul3A_103 = vector.broadcast %mul3A_102 : f32 to vector<3x128xf32>
    %mul3A_104 = arith.mulf %get3A_101, %mul3A_103 : vector<3x128xf32>
    %add3A_105 = arith.addf %mul3A_96, %mul3A_88 : vector<3x128xf32>
    %sub3A = arith.subf %mul3A_104, %mul3A_96 : vector<3x128xf32>
    %mul3A_106 = arith.constant 5.000000e-02 : f32
    %mul3A_107 = vector.broadcast %mul3A_106 : f32 to vector<3x128xf32>
    %mul3A_108 = arith.mulf %mul3A_107, %sub3A : vector<3x128xf32>
    %add3A_109 = arith.addf %add3A_105, %mul3A_108 : vector<3x128xf32>
    %mul3A_110 = arith.constant 5.000000e+00 : f32
    %mul3A_111 = vector.broadcast %mul3A_110 : f32 to vector<3x128xf32>
    %mul3A_112 = arith.mulf %add3A_109, %mul3A_111 : vector<3x128xf32>
    %swap3A = arith.constant 0 : index
    %swap3A_113 = arith.constant 0 : index
    %swap3A_114 = vector.load %arg20[%swap3A, %swap3A_113] : memref<3x128xf32, #tpu.memory_space<vmem>>, vector<3x128xf32>
    tpu.vector_store %arg20[%swap3A, %swap3A_113], %mul3A_112 {strides = array<i32>} : memref<3x128xf32, #tpu.memory_space<vmem>>, vector<3x128xf32>,
    %get3A_115 = arith.constant 0 : index
    %get3A_116 = arith.constant 0 : index
    %get3A_117 = vector.load %arg14[%get3A_115, %get3A_116] : memref<3x128xf32, #tpu.memory_space<vmem>>, vector<3x128xf32>
    %dot_general3A_118 = arith.constant dense<0.000000e+00> : vector<3x64xf32>
    %dot_general3A_119 = tpu.matmul %get3A_117, %add3A_79, %dot_general3A_118 {dimension_numbers = #tpu.dot_dimension_numbers<[1], [1], [0], [0], [0, 0, 1, 0], [], []>, transpose_lhs_hint = false} : vector<3x128xf32>, vector<64x128xf32>, vector<3x64xf32> -> vector<3x64xf32>
    %tanh3A_120 = math.tanh %dot_general3A_119 : vector<3x64xf32>
    %mul3A_121 = arith.constant 0.00999999977 : f32
    %mul3A_122 = vector.broadcast %mul3A_121 : f32 to vector<3x64xf32>
    %mul3A_123 = arith.mulf %mul3A_122, %tanh3A_120 : vector<3x64xf32>
    %get3A_124 = arith.constant 0 : index
    %get3A_125 = arith.constant 0 : index
    %get3A_126 = arith.constant 0 : index
    %get3A_127 = vector.load %arg5[%get3A_124, %get3A_125, %get3A_126] : memref<1x3x64xf32, #tpu.memory_space<vmem>>, vector<1x3x64xf32>
    %get3A_128 = vector.shape_cast %get3A_127 : vector<1x3x64xf32> to vector<3x64xf32>
    %mul3A_129 = arith.constant 2.000000e-01 : f32
    %mul3A_130 = vector.broadcast %mul3A_129 : f32 to vector<3x64xf32>
    %mul3A_131 = arith.mulf %get3A_128, %mul3A_130 : vector<3x64xf32>
    %get3A_132 = arith.constant 0 : index
    %get3A_133 = arith.constant 0 : index
    %get3A_134 = arith.constant 0 : index
    %get3A_135 = vector.load %arg6[%get3A_132, %get3A_133, %get3A_134] : memref<1x3x64xf32, #tpu.memory_space<vmem>>, vector<1x3x64xf32>
    %get3A_136 = vector.shape_cast %get3A_135 : vector<1x3x64xf32> to vector<3x64xf32>
    %mul3A_137 = arith.constant 2.000000e-01 : f32
    %mul3A_138 = vector.broadcast %mul3A_137 : f32 to vector<3x64xf32>
    %mul3A_139 = arith.mulf %get3A_136, %mul3A_138 : vector<3x64xf32>
    %add3A_140 = arith.addf %mul3A_131, %mul3A_123 : vector<3x64xf32>
    %sub3A_141 = arith.subf %mul3A_139, %mul3A_131 : vector<3x64xf32>
    %mul3A_142 = arith.constant 5.000000e-02 : f32
    %mul3A_143 = vector.broadcast %mul3A_142 : f32 to vector<3x64xf32>
    %mul3A_144 = arith.mulf %mul3A_143, %sub3A_141 : vector<3x64xf32>
    %add3A_145 = arith.addf %add3A_140, %mul3A_144 : vector<3x64xf32>
    %mul3A_146 = arith.constant 5.000000e+00 : f32
    %mul3A_147 = vector.broadcast %mul3A_146 : f32 to vector<3x64xf32>
    %mul3A_148 = arith.mulf %add3A_145, %mul3A_147 : vector<3x64xf32>
    %swap3A_149 = arith.constant 0 : index
    %swap3A_150 = arith.constant 0 : index
    %swap3A_151 = arith.constant 0 : index
    %swap3A_152 = vector.load %arg19[%swap3A_149, %swap3A_150, %swap3A_151] : memref<1x3x64xf32, #tpu.memory_space<vmem>>, vector<1x3x64xf32>
    %swap3A_153 = vector.shape_cast %swap3A_152 : vector<1x3x64xf32> to vector<3x64xf32>
    %swap3A_154 = vector.shape_cast %mul3A_148 : vector<3x64xf32> to vector<1x3x64xf32>
    tpu.vector_store %arg19[%swap3A_149, %swap3A_150, %swap3A_151], %swap3A_154 {strides = array<i32>} : memref<1x3x64xf32, #tpu.memory_space<vmem>>, vector<1x3x64xf32>,
    %mul3A_155 = arith.mulf %add3A_109, %add3A_109 : vector<3x128xf32>
    %reduce_sum3A = arith.constant dense<0.000000e+00> : vector<128xf32>
    %reduce_sum3A_156 = vector.multi_reduction <add>, %mul3A_155, %reduce_sum3A [0] : vector<3x128xf32> to vector<128xf32>
    %broadcast_in_dim3A = vector.shape_cast %reduce_sum3A_156 : vector<128xf32> to vector<1x128xf32>
    %mul3A_157 = arith.mulf %add3A_145, %add3A_145 : vector<3x64xf32>
    %reduce_sum3A_158 = arith.constant dense<0.000000e+00> : vector<64xf32>
    %reduce_sum3A_159 = vector.multi_reduction <add>, %mul3A_157, %reduce_sum3A_158 [0] : vector<3x64xf32> to vector<64xf32>
    %broadcast_in_dim3A_160 = vector.shape_cast %reduce_sum3A_159 : vector<64xf32> to vector<1x64xf32>
    %broadcast_in_dim3A_161 = arith.constant 1.000000e+00 : f32
    %broadcast_in_dim3A_162 = vector.broadcast %broadcast_in_dim3A_161 : f32 to vector<1x128xf32>
    %concatenate3A = tpu.concatenate %add3A_109, %broadcast_in_dim3A, %broadcast_in_dim3A_162 in 0 : vector<3x128xf32>, vector<1x128xf32>, vector<1x128xf32> -> vector<5x128xf32>
    %mul3A_163 = arith.constant -2.000000e+00 : f32
    %mul3A_164 = vector.broadcast %mul3A_163 : f32 to vector<3x64xf32>
    %mul3A_165 = arith.mulf %mul3A_164, %add3A_145 : vector<3x64xf32>
    %broadcast_in_dim3A_166 = arith.constant 1.000000e+00 : f32
    %broadcast_in_dim3A_167 = vector.broadcast %broadcast_in_dim3A_166 : f32 to vector<1x64xf32>
    %concatenate3A_168 = tpu.concatenate %mul3A_165, %broadcast_in_dim3A_167, %broadcast_in_dim3A_160 in 0 : vector<3x64xf32>, vector<1x64xf32>, vector<1x64xf32> -> vector<5x64xf32>
    %dot_general3A_169 = arith.constant dense<0.000000e+00> : vector<128x64xf32>
    %dot_general3A_170 = tpu.matmul %concatenate3A, %concatenate3A_168, %dot_general3A_169 {dimension_numbers = #tpu.dot_dimension_numbers<[0], [0], [1], [1], [0, 1, 1, 1], [], []>, precision = #tpu.contract_precision<fp32>, transpose_lhs_hint = false} : vector<5x128xf32>, vector<5x64xf32>, vector<128x64xf32> -> vector<128x64xf32>
    %max3A = arith.constant 0.000000e+00 : f32
    %max3A_171 = vector.broadcast %max3A : f32 to vector<128x64xf32>
    %max3A_172 = arith.maximumf %dot_general3A_170, %max3A_171 : vector<128x64xf32>
    %add3A_173 = arith.constant 9.99999996E-13 : f32
    %add3A_174 = vector.broadcast %add3A_173 : f32 to vector<128x64xf32>
    %add3A_175 = arith.addf %max3A_172, %add3A_174 : vector<128x64xf32>
    %sqrt3A = math.sqrt %add3A_175 : vector<128x64xf32>
    %mul3A_176 = arith.constant 5.000000e+00 : f32
    %mul3A_177 = vector.broadcast %mul3A_176 : f32 to vector<128x64xf32>
    %mul3A_178 = arith.mulf %sqrt3A, %mul3A_177 : vector<128x64xf32>
    %jit3A = arith.constant 0.000000e+00 : f32
    %jit3A_179 = arith.constant 1.000000e+01 : f32
    %max3A_180 = vector.broadcast %jit3A : f32 to vector<128x64xf32>
    %max3A_181 = arith.maximumf %max3A_180, %mul3A_178 : vector<128x64xf32>
    %min3A = vector.broadcast %jit3A_179 : f32 to vector<128x64xf32>
    %min3A_182 = arith.minimumf %min3A, %max3A_181 : vector<128x64xf32>
    %swap3A_183 = arith.constant 0 : index
    %swap3A_184 = arith.constant 0 : index
    %swap3A_185 = arith.constant 0 : index
    %swap3A_186 = vector.load %arg22[%swap3A_183, %swap3A_184, %swap3A_185] : memref<1x128x64xf32, #tpu.memory_space<vmem>>, vector<1x128x64xf32>
    %swap3A_187 = vector.shape_cast %swap3A_186 : vector<1x128x64xf32> to vector<128x64xf32>
    %swap3A_188 = vector.shape_cast %min3A_182 : vector<128x64xf32> to vector<1x128x64xf32>
    tpu.vector_store %arg22[%swap3A_183, %swap3A_184, %swap3A_185], %swap3A_188 {strides = array<i32>} : memref<1x128x64xf32, #tpu.memory_space<vmem>>, vector<1x128x64xf32>,
    %broadcast_in_dim3A_189 = vector.shape_cast %add3A_36 : vector<128x128xf32> to vector<128x1x128xf32>
    %broadcast_in_dim3A_190 = vector.shape_cast %add3A_79 : vector<64x128xf32> to vector<1x64x128xf32>
    %mul3A_191 = vector.broadcast %broadcast_in_dim3A_189 : vector<128x1x128xf32> to vector<128x64x128xf32>
    %mul3A_192 = vector.broadcast %broadcast_in_dim3A_190 : vector<1x64x128xf32> to vector<128x64x128xf32>
    %mul3A_193 = arith.mulf %mul3A_191, %mul3A_192 : vector<128x64x128xf32>
    %reshape3A = vector.shape_cast %mul3A_193 : vector<128x64x128xf32> to vector<8192x128xf32>
    %get3A_194 = arith.constant 0 : index
    %get3A_195 = arith.constant 0 : index
    %get3A_196 = vector.load %arg15[%get3A_194, %get3A_195] : memref<128x128xf32, #tpu.memory_space<vmem>>, vector<128x128xf32>
    %dot_general3A_197 = arith.constant dense<0.000000e+00> : vector<128x8192xf32>
    %dot_general3A_198 = tpu.matmul %get3A_196, %reshape3A, %dot_general3A_197 {dimension_numbers = #tpu.dot_dimension_numbers<[0], [1], [1], [0], [0, 1, 1, 0], [], []>, transpose_lhs_hint = false} : vector<128x128xf32>, vector<8192x128xf32>, vector<128x8192xf32> -> vector<128x8192xf32>
    %get3A_199 = arith.constant 0 : index
    %get3A_200 = arith.constant 0 : index
    %get3A_201 = vector.load %arg16[%get3A_199, %get3A_200] : memref<128x1xf32, #tpu.memory_space<vmem>>, vector<128x1xf32>
    %add3A_202 = vector.broadcast %get3A_201 : vector<128x1xf32> to vector<128x8192xf32>
    %add3A_203 = arith.addf %dot_general3A_198, %add3A_202 : vector<128x8192xf32>
    %max3A_204 = arith.constant 0.000000e+00 : f32
    %max3A_205 = vector.broadcast %max3A_204 : f32 to vector<128x8192xf32>
    %max3A_206 = arith.maximumf %add3A_203, %max3A_205 : vector<128x8192xf32>
    %get3A_207 = arith.constant 0 : index
    %get3A_208 = arith.constant 0 : index
    %get3A_209 = vector.load %arg17[%get3A_207, %get3A_208] : memref<128x1xf32, #tpu.memory_space<vmem>>, vector<128x1xf32>
    %mul3A_210 = vector.broadcast %get3A_209 : vector<128x1xf32> to vector<128x8192xf32>
    %mul3A_211 = arith.mulf %max3A_206, %mul3A_210 : vector<128x8192xf32>
    %reduce_sum3A_212 = arith.constant dense<0.000000e+00> : vector<8192xf32>
    %reduce_sum3A_213 = vector.multi_reduction <add>, %mul3A_211, %reduce_sum3A_212 [0] : vector<128x8192xf32> to vector<8192xf32>
    %broadcast_in_dim3A_214 = vector.shape_cast %reduce_sum3A_213 : vector<8192xf32> to vector<1x8192xf32>
    %get3A_215 = arith.constant 0 : index
    %get3A_216 = arith.constant 0 : index
    %get3A_217 = vector.load %arg18[%get3A_215, %get3A_216] : memref<1x1xf32, #tpu.memory_space<vmem>>, vector<1x1xf32>
    %add3A_218 = vector.broadcast %get3A_217 : vector<1x1xf32> to vector<1x8192xf32>
    %add3A_219 = arith.addf %broadcast_in_dim3A_214, %add3A_218 : vector<1x8192xf32>
    %logistic3A = arith.negf %add3A_219 : vector<1x8192xf32>
    %logistic3A_220 = math.exp %logistic3A : vector<1x8192xf32>
    %logistic3A_221 = arith.constant 1.000000e+00 : f32
    %logistic3A_222 = vector.broadcast %logistic3A_221 : f32 to vector<1x8192xf32>
    %logistic3A_223 = arith.addf %logistic3A_222, %logistic3A_220 : vector<1x8192xf32>
    %logistic3A_224 = arith.divf %logistic3A_222, %logistic3A_223 : vector<1x8192xf32>
    %mul3A_225 = arith.constant 1.000000e+01 : f32
    %mul3A_226 = vector.broadcast %mul3A_225 : f32 to vector<1x8192xf32>
    %mul3A_227 = arith.mulf %logistic3A_224, %mul3A_226 : vector<1x8192xf32>
    %swap3A_228 = arith.constant 0 : index
    %swap3A_229 = arith.constant 0 : index
    %swap3A_230 = arith.constant 0 : index
    %swap3A_231 = vector.load %arg21[%swap3A_228, %swap3A_229, %swap3A_230] : memref<1x1x8192xf32, #tpu.memory_space<vmem>>, vector<1x1x8192xf32>
    %swap3A_232 = vector.shape_cast %swap3A_231 : vector<1x1x8192xf32> to vector<1x8192xf32>
    %swap3A_233 = vector.shape_cast %mul3A_227 : vector<1x8192xf32> to vector<1x1x8192xf32>
    tpu.vector_store %arg21[%swap3A_228, %swap3A_229, %swap3A_230], %swap3A_233 {strides = array<i32>} : memref<1x1x8192xf32, #tpu.memory_space<vmem>>, vector<1x1x8192xf32>,
    return
  }
  func.func @transform_0(%arg0: i32) -> (i32, i32, i32) {
    %c0_i32 = arith.constant 0 : i32
    %c0_i32_0 = arith.constant 0 : i32
    %c0_i32_1 = arith.constant 0 : i32
    return %arg0, %c0_i32, %c0_i32_0 : i32, i32, i32
  }
  func.func @transform_1(%arg0: i32) -> (i32, i32, i32) {
    %c0_i32 = arith.constant 0 : i32
    %c0_i32_0 = arith.constant 0 : i32
    %c0_i32_1 = arith.constant 0 : i32
    return %arg0, %c0_i32, %c0_i32_0 : i32, i32, i32
  }
  func.func @transform_2(%arg0: i32) -> (i32, i32, i32) {
    %c0_i32 = arith.constant 0 : i32
    %c0_i32_0 = arith.constant 0 : i32
    %c0_i32_1 = arith.constant 0 : i32
    return %arg0, %c0_i32, %c0_i32_0 : i32, i32, i32
  }
  func.func @transform_3(%arg0: i32) -> (i32, i32, i32) {
    %c0_i32 = arith.constant 0 : i32
    %c0_i32_0 = arith.constant 0 : i32
    %c0_i32_1 = arith.constant 0 : i32
    return %arg0, %c0_i32, %c0_i32_0 : i32, i32, i32
  }
  func.func @transform_4(%arg0: i32) -> (i32, i32, i32) {
    %c0_i32 = arith.constant 0 : i32
    %c0_i32_0 = arith.constant 0 : i32
    %c0_i32_1 = arith.constant 0 : i32
    return %arg0, %c0_i32, %c0_i32_0 : i32, i32, i32
  }
  func.func @transform_5(%arg0: i32) -> (i32, i32, i32) {
    %c0_i32 = arith.constant 0 : i32
    %c0_i32_0 = arith.constant 0 : i32
    %c0_i32_1 = arith.constant 0 : i32
    return %arg0, %c0_i32, %c0_i32_0 : i32, i32, i32
  }
  func.func @transform_6(%arg0: i32) -> (i32, i32) {
    %c0_i32 = arith.constant 0 : i32
    %c0_i32_0 = arith.constant 0 : i32
    %c0_i32_1 = arith.constant 0 : i32
    return %c0_i32, %c0_i32_0 : i32, i32
  }
  func.func @transform_7(%arg0: i32) -> (i32, i32) {
    %c0_i32 = arith.constant 0 : i32
    %c0_i32_0 = arith.constant 0 : i32
    %c0_i32_1 = arith.constant 0 : i32
    return %c0_i32, %c0_i32_0 : i32, i32
  }
  func.func @transform_8(%arg0: i32) -> (i32, i32) {
    %c0_i32 = arith.constant 0 : i32
    %c0_i32_0 = arith.constant 0 : i32
    %c0_i32_1 = arith.constant 0 : i32
    return %c0_i32, %c0_i32_0 : i32, i32
  }
  func.func @transform_9(%arg0: i32) -> (i32, i32) {
    %c0_i32 = arith.constant 0 : i32
    %c0_i32_0 = arith.constant 0 : i32
    %c0_i32_1 = arith.constant 0 : i32
    return %c0_i32, %c0_i32_0 : i32, i32
  }
  func.func @transform_10(%arg0: i32) -> (i32, i32) {
    %c0_i32 = arith.constant 0 : i32
    %c0_i32_0 = arith.constant 0 : i32
    %c0_i32_1 = arith.constant 0 : i32
    return %c0_i32, %c0_i32_0 : i32, i32
  }
  func.func @transform_11(%arg0: i32) -> (i32, i32) {
    %c0_i32 = arith.constant 0 : i32
    %c0_i32_0 = arith.constant 0 : i32
    %c0_i32_1 = arith.constant 0 : i32
    return %c0_i32, %c0_i32_0 : i32, i32
  }
  func.func @transform_12(%arg0: i32) -> (i32, i32) {
    %c0_i32 = arith.constant 0 : i32
    %c0_i32_0 = arith.constant 0 : i32
    %c0_i32_1 = arith.constant 0 : i32
    return %c0_i32, %c0_i32_0 : i32, i32
  }
  func.func @transform_13(%arg0: i32) -> (i32, i32) {
    %c0_i32 = arith.constant 0 : i32
    %c0_i32_0 = arith.constant 0 : i32
    %c0_i32_1 = arith.constant 0 : i32
    return %c0_i32, %c0_i32_0 : i32, i32
  }
  func.func @transform_14(%arg0: i32) -> (i32, i32) {
    %c0_i32 = arith.constant 0 : i32
    %c0_i32_0 = arith.constant 0 : i32
    %c0_i32_1 = arith.constant 0 : i32
    return %c0_i32, %c0_i32_0 : i32, i32
  }
  func.func @transform_15(%arg0: i32) -> (i32, i32) {
    %c0_i32 = arith.constant 0 : i32
    %c0_i32_0 = arith.constant 0 : i32
    %c0_i32_1 = arith.constant 0 : i32
    return %c0_i32, %c0_i32_0 : i32, i32
  }
  func.func @transform_16(%arg0: i32) -> (i32, i32) {
    %c0_i32 = arith.constant 0 : i32
    %c0_i32_0 = arith.constant 0 : i32
    %c0_i32_1 = arith.constant 0 : i32
    return %c0_i32, %c0_i32_0 : i32, i32
  }
  func.func @transform_17(%arg0: i32) -> (i32, i32) {
    %c0_i32 = arith.constant 0 : i32
    %c0_i32_0 = arith.constant 0 : i32
    %c0_i32_1 = arith.constant 0 : i32
    return %c0_i32, %c0_i32_0 : i32, i32
  }
  func.func @transform_18(%arg0: i32) -> (i32, i32, i32) {
    %c0_i32 = arith.constant 0 : i32
    %c0_i32_0 = arith.constant 0 : i32
    %c0_i32_1 = arith.constant 0 : i32
    return %arg0, %c0_i32, %c0_i32_0 : i32, i32, i32
  }
  func.func @transform_19(%arg0: i32) -> (i32, i32) {
    %c0_i32 = arith.constant 0 : i32
    %c0_i32_0 = arith.constant 0 : i32
    return %c0_i32, %arg0 : i32, i32
  }
  func.func @transform_20(%arg0: i32) -> (i32, i32, i32) {
    %c0_i32 = arith.constant 0 : i32
    %c0_i32_0 = arith.constant 0 : i32
    %c0_i32_1 = arith.constant 0 : i32
    return %arg0, %c0_i32, %c0_i32_0 : i32, i32, i32
  }
  func.func @transform_21(%arg0: i32) -> (i32, i32, i32) {
    %c0_i32 = arith.constant 0 : i32
    %c0_i32_0 = arith.constant 0 : i32
    %c0_i32_1 = arith.constant 0 : i32
    return %arg0, %c0_i32, %c0_i32_0 : i32, i32, i32
  }
}

</mosaic_0001>

<sc_bundles>
// kernel: kernel.4.cloned.1.call-start
scs
__scs_entry_jumppad:
0x0: {  	(pc) =	sbr.rel $0x88, $3  }
0x1: {  	(tag) =	ssettag $0x0;
	lr =	simm.s32 $0x1  }
0x2: {  	[smem:$0x3F90] =	sst lr;
	_ =	strace $0xD0000000  }
0x3: {  	_ = 	snop  }
0x4: {  	_ = 	snop  }
0x5: {  	_ = 	snop  }
0x6: {  	_ = 	snop  }
0x7: {  	_ = 	snop  }
__scs_overlays_trampoline_lowered:
0x8: {  	[smem:$0x3F9F] =	sst s0  }
0x9: {  	[smem:$0x3FA0] =	sst s1  }
0xa: {  	[smem:$0x3FA1] =	sst s2  }
0xb: {  	[smem:$0x3FA2] =	sst s3  }
0xc: {  	[smem:$0x3FA3] =	sst s4  }
0xd: {  	[smem:$0x3FA4] =	sst s5  }
0xe: {  	[smem:$0x3FA5] =	sst s6  }
0xf: {  	[smem:$0x3FA6] =	sst s7  }
0x10: {  	[smem:$0x3FA7] =	sst s8  }
0x11: {  	[smem:$0x3FA8] =	sst s9;
	s0 =	simm.s32 @!p0 $0x0  }
0x12: {  	s1 =	sld [smem:$0x3F8E];
	s0 =	simm.s32 @p0 $0x1  }
0x13: {  	[smem:$0x3FA9] =	sst s0;
	s0 =	simm.s32 @!p1 $0x0  }
0x14: {  	s2 =	sld [smem:$0x3F8D];
	s0 =	simm.s32 @p1 $0x1  }
0x15: {  	[smem:$0x3FAA] =	sst s0;
	s0 =	simm.s32 @!p2 $0x0  }
0x16: {  	s3 =	sld [smem:$0x3FDB];
	s0 =	simm.s32 @p2 $0x1  }
0x17: {  	s4 =	simm.s32 $0x1BF5;
	[smem:$0x3FAC] =	sst s0  }
0x18: {  	s0 =	sld [smem:$0x3F8F];
	_ =	swait.ge [sflag:s4], $0x0  }
0x19: {  	s7 =	sld [smem:$0x3F90]  }
0x1a: {  	s8 =	sadd.s32 $0xFFFFE003, lr  }
0x1b: {  	s9 =	sadd.s32 $0xFFFFFEF7, lr;
	s5 =	simm.s32 $0xFFFFFFFF;
	p2 =	slt.u32 s8, $0xFFFFF086  }
0x1c: {  	p1 =	slt.u32 s9, $0xF7A;
	s5 =	simm.s32 @!p2 $0x0  }
0x1d: {  	s5 =	simm.s32 @p1 $0x1;
	p0 =	seq.s32 s7, s2  }
0x1e: {  	s7 =	smul.u32 @!p0 $0xF7A, s2;
	p2 =	seq.s32 @!p0 s5, $0x0  }
0x1f: {  	s9 =	smul.u32 $0xF7A, s1;
	s8 =	simm.s32 @!p0 $0x1BF5;
	p2 =	por !p2, p0  }
0x20: {  	[sflag:s8] =	ssyncset.s32 @!p0 $0xFFFFF086;
	s6 =	sadd.s32 @!p0 s3, s7;
	s7 =	simm.s32 @!p0 $0x108  }
0x21: {  	s3 =	sadd.s32 s3, s9;
	s6 =	sadd.s32 @!p0 $0x88, s6;
	s7 =	simm.s32 @p2 $0x1082  }
0x22: {  	[simem:s7], [sflag:s8] =	dma.local @!p0 [hbm:s6], $0xF7A  }
0x23: {  	s9 =	sor.u32 $0xD0000000, s2;
	s6 =	simm.s32 $0x108;
	_ =	swait.ge @!p0 [sflag:s8], $0x0  }
0x24: {  	s3 =	sadd.s32 $0x88, s3;
	s6 =	simm.s32 @!p1 $0x1082;
	[sflag:s4] =	ssyncset.s32 $0xFFFFF086  }
0x25: {  	[simem:s6], [sflag:s4] =	dma.local [hbm:s3], $0xF7A  }
0x26: {  	[smem:$0x3F90] =	sst s1;
	(tag) =	ssettag s2;
	_ =	strace s9  }
0x27: {  	s1 =	sld [smem:$0x3FA0]  }
0x28: {  	s2 =	sld [smem:$0x3FA1]  }
0x29: {  	s4 =	sld [smem:$0x3FA3]  }
0x2a: {  	p0 =	seq.s32 s5, $0x0;
	s5 =	sld [smem:$0x3FA4]  }
0x2b: {  	s6 =	sld [smem:$0x3FA5]  }
0x2c: {  	s7 =	sld [smem:$0x3FA6]  }
0x2d: {  	s3 =	simm.s32 $0x108;
	s8 =	sld [smem:$0x3FA7]  }
0x2e: {  	s3 =	simm.s32 @!p0 $0x1082;
	s9 =	sld [smem:$0x3FA8]  }
0x2f: {  	lr =	sadd.s32 s0, s3;
	s0 =	sld [smem:$0x3F9F]  }
0x30: {  	s3 =	sld [smem:$0x3FA2]  }
0x31: {  	[smem:$0x3FAB] =	sst s10  }
0x32: {  	s10 =	sld [smem:$0x3FA9];
	_ =	sdelay $0x3  }
0x33: {  	p0 =	seq.s32 s10, $0x1;
	s10 =	sld [smem:$0x3FAB];
	_ =	sdelay $0x3  }
0x34: {  	[smem:$0x3FAB] =	sst s10  }
0x35: {  	s10 =	sld [smem:$0x3FAA];
	_ =	sdelay $0x3  }
0x36: {  	p1 =	seq.s32 s10, $0x1;
	s10 =	sld [smem:$0x3FAB];
	_ =	sdelay $0x3  }
0x37: {  	[smem:$0x3FAB] =	sst s10  }
0x38: {  	s10 =	sld [smem:$0x3FAC]  }
0x39: {  	_ = 	snop;
	(pc) =	sbr.ind lr, $3  }
0x3a: {  	_ = 	snop  }
0x3b: {  	_ = 	snop  }
0x3c: {  	p2 =	seq.s32 s10, $0x1;
	s10 =	sld [smem:$0x3FAB]  }
0x3d: {  	_ =	shalt  }
0x3e: {  	_ =	shalt  }
0x3f: {  	_ =	shalt  }
0x40: {  	_ =	shalt  }
0x41: {  	_ =	shalt  }
0x42: {  	_ =	shalt  }
0x43: {  	_ =	shalt  }
0x44: {  	_ =	shalt  }
0x45: {  	_ =	shalt  }
0x46: {  	_ =	shalt  }
0x47: {  	_ =	shalt  }
0x48: {  	_ =	shalt  }
0x49: {  	_ =	shalt  }
0x4a: {  	_ =	shalt  }
0x4b: {  	_ =	shalt  }
0x4c: {  	_ =	shalt  }
0x4d: {  	_ =	shalt  }
0x4e: {  	_ =	shalt  }
0x4f: {  	_ =	shalt  }
0x50: {  	_ =	shalt  }
0x51: {  	_ =	shalt  }
0x52: {  	_ =	shalt  }
0x53: {  	_ =	shalt  }
0x54: {  	_ =	shalt  }
0x55: {  	_ =	shalt  }
0x56: {  	_ =	shalt  }
0x57: {  	_ =	shalt  }
0x58: {  	_ =	shalt  }
0x59: {  	_ =	shalt  }
0x5a: {  	_ =	shalt  }
0x5b: {  	_ =	shalt  }
0x5c: {  	_ =	shalt  }
0x5d: {  	_ =	shalt  }
0x5e: {  	_ =	shalt  }
0x5f: {  	_ =	shalt  }
0x60: {  	_ =	shalt  }
0x61: {  	_ =	shalt  }
0x62: {  	_ =	shalt  }
0x63: {  	_ =	shalt  }
0x64: {  	_ =	shalt  }
0x65: {  	_ =	shalt  }
0x66: {  	_ =	shalt  }
0x67: {  	_ =	shalt  }
0x68: {  	_ =	shalt  }
0x69: {  	_ =	shalt  }
0x6a: {  	_ =	shalt  }
0x6b: {  	_ =	shalt  }
0x6c: {  	_ =	shalt  }
0x6d: {  	_ =	shalt  }
0x6e: {  	_ =	shalt  }
0x6f: {  	_ =	shalt  }
0x70: {  	_ =	shalt  }
0x71: {  	_ =	shalt  }
0x72: {  	_ =	shalt  }
0x73: {  	_ =	shalt  }
0x74: {  	_ =	shalt  }
0x75: {  	_ =	shalt  }
0x76: {  	_ =	shalt  }
0x77: {  	_ =	shalt  }
0x78: {  	_ =	shalt  }
0x79: {  	_ =	shalt  }
0x7a: {  	_ =	shalt  }
0x7b: {  	_ =	shalt  }
0x7c: {  	_ =	shalt  }
0x7d: {  	_ =	shalt  }
0x7e: {  	_ =	shalt  }
0x7f: {  	_ =	shalt  }
0x80: {  	_ =	shalt  }
0x81: {  	_ =	shalt  }
0x82: {  	_ =	shalt  }
0x83: {  	_ =	shalt  }
0x84: {  	_ =	shalt  }
0x85: {  	_ =	shalt  }
0x86: {  	_ =	shalt  }
0x87: {  	_ =	shalt  }
.Lfunc_end0:
.L_simem_size_0:
called_computation_lowered:
.L_overlay_start_0:
0x88: {  	s2 =	sld [smem:$0x3FD9]  }
0x89: {  	s3 =	sld [smem:$0x3FFE];
	_ =	sdelay $0x1  }
0x8a: {  	s1 =	srdreg.scid  }
0x8b: {  	s0 =	sand.u32 $0x1, s1  }
0x8c: {  	s17 =	sshll.u32 s0, $0xA;
	s2 =	sadd.s32 s3, s2  }
0x8d: {  	s2 =	sadd.s32 s2, s17  }
0x8e: {  	[smem:$0x3FB7] =	sst s2  }
0x8f: {  	_ = 	snop  }
0x90: {  	s2 =	sld [smem:$0x3FC9]  }
0x91: {  	s18 =	sld [smem:$0x3FC7];
	(tm) =	ssettm $0x1  }
0x92: {  	s4 =	sld [smem:$0x3FFB];
	_ =	sdelay $0x3  }
0x93: {  	_ =	strace s4  }
0x94: {  	s4 =	sld [smem:$0x3FFC];
	_ =	sdelay $0x3  }
0x95: {  	_ =	strace s4  }
0x96: {  	s4 =	sld [smem:$0x3FFD];
	_ =	sdelay $0x3  }
0x97: {  	_ =	strace s4  }
0x98: {  	_ =	strace $0x8FFFFFFF  }
0x99: {  	s19 =	sld [smem:$0x3FDB];
	_ =	sdelay $0x1  }
0x9a: {  	s5 =	simm.s32 $_scs_section_size  }
0x9b: {  	s6 =	simm.s32 $_size__tile_overlayer_lowered;
	s7 =	simm.s32 $_tile_overlayer_lowered  }
0x9c: {  	s22 =	simm.s32 $0x1BFF;
	s21 =	sshll.u32 s7, $0x1;
	s4 =	sadd.s32 s5, s19  }
0x9d: {  	s8 =	simm.s32 $0x0;
	s20 =	sshll.u32 s6, $0x1;
	s6 =	sadd.s32 s21, s4  }
0x9e: {  	[timem:s8], [sflag:s22] =	dma.local [hbm:s6], s20  }
0x9f: {  	_ =	swait.ge [sflag:s22], s20  }
0xa0: {  	s5 =	ssub.s32 $0x0, s20;
	[sflag:s22] =	ssyncset.done $0x0  }
0xa1: {  	[sflag:s22] =	ssyncadd.s32 s5;
	_ =	sdelay $0x1  }
0xa2: {  	s23 =	simm.s32 $0x1B8B  }
0xa3: {  	_ =	swait.ge [sflag:s23], $0x1  }
0xa4: {  	[sflag:s23] =	ssyncset.done $0x0  }
0xa5: {  	s25 =	simm.s32 $0x1B8E;
	s24 =	sld [smem:$0x3FFE];
	[sflag:s23] =	ssyncadd.s32 $0xFFFFFFFF  }
0xa6: {  	s26 =	simm.s32 $execute0_lowered;
	[smem:$0x3FD2] =	sst s25  }
0xa7: {  	s6 =	sshll.u32 s26, $0x1;
	_ =	strace $0x80000046;
	[dreg:$0x1] =	wrdreg $0xFFFFFFFF  }
0xa8: {  	s28 =	simm.s32 $_size_execute0_lowered;
	s4 =	sadd.s32 s4, s6;
	[dreg:$0x0] =	wrdreg $0x0  }
0xa9: {  	s6 =	sshll.u32 s28, $0x1;
	[dreg:$0x2] =	wrdreg s4  }
0xaa: {  	[dreg:$0x3] =	wrdreg s6  }
0xab: {  	[dreg:$0x4] =	wrdreg $0xC0  }
0xac: {  	_ =	task [dreg:s8], $0x5FFFF  }
0xad: {  	[dreg:$0x1] =	wrdreg $0xFFFFFFFF  }
0xae: {  	[dreg:$0x0] =	wrdreg $0x60  }
0xaf: {  	[dreg:$0x2] =	wrdreg s2  }
0xb0: {  	[dreg:$0x3] =	wrdreg s18  }
0xb1: {  	[dreg:$0x4] =	wrdreg s24  }
0xb2: {  	[dreg:$0x5] =	wrdreg $0x9  }
0xb3: {  	_ =	task.clear_ibuf [dreg:s8], $0x6FFFF;
	_ =	strace $0x90000046  }
0xb4: {  	s29 =	simm.s32 $0x9;
	_ =	strace $0x80000048  }
0xb5: {  	_ =	swait.ge [sflag:s29], $0x1  }
0xb6: {  	[sflag:s29] =	ssyncadd.s32 $0xFFFFFFFF  }
0xb7: {  	_ =	strace $0x90000048  }
0xb8: {  	_ =	sfence  }
0xb9: {  	s30 =	sld [smem:$0x0];
	_ =	sdelay $0x2  }
0xba: {  	s31 =	sshll.u32 s1, $0xD;
	s1 =	sshrl.u32 s1, $0x2  }
0xbb: {  	s3 =	sand.u32 $0x4000, s31;
	s1 =	sadd.s32 s1, s30  }
0xbc: {  	s0 =	sor.u32 s3, s0;
	s1 =	sshll.u32 s1, $0x11  }
0xbd: {  	s0 =	sor.u32 s1, s0  }
0xbe: {  	s0 =	sadd.s32 $0x8F2B, s0  }
0xbf: {  	[sflag:s0] =	ssyncadd.remote.s32 $0x1  }
0xc0: {  	_ =	sfence.sel $0xFFFF  }
0xc1: {  	[dreg:$0x0] =	wrdreg $0xFFFFFFFF;
	(pc) =	sbr.abs _section_cstart, $3  }
0xc2: {  	[dreg:$0x1] =	wrdreg $0xFFFFFFFF  }
0xc3: {  	_ =	task.clear_ibuf [dreg:s8], $0x2FFFF;
	_ =	strace $0x9FFFFFFF  }
0xc4: {  	(tm) =	ssettm $0x7FFFFFFF  }
0xc5: {  	_ =	shalt  }
tec
execute0_lowered:
.L_overlay_start_1:
0x0: {  	(tag) =	ssettag $0x1  }
0x1: {  	s2 =	srdreg.scid  }
0x2: {  	s1 =	rddreg [dreg:$0x0];
	s0 =	stileid.u32;
	s2 =	sand.u32 $0x1, s2  }
0x3: {  	s4 =	rddreg [dreg:$0x1];
	s3 =	sshll.u32 s0, $0x4;
	s5 =	sshll.u32 s2, $0x3  }
0x4: {  	s6 =	rddreg [dreg:$0x2];
	s5 =	sor.u32 s5, s3;
	s3 =	simm.s32 $0x0  }
0x5: {  	[smem:$0x7FF] =	sst s3;
	s4 =	sadd.s32 s4, s5  }
0x6: {  	s9 =	simm.s32 $0x880;
	_ =	strace $0x80000047;
	[dreg:$0x4] =	wrdreg s4  }
0x7: {  	s10 =	simm.s32 $0x1080;
	[dreg:$0x6] =	wrdreg s9  }
0x8: {  	s11 =	simm.s32 $0x1880;
	[dreg:$0x7] =	wrdreg s10  }
0x9: {  	s12 =	simm.s32 $0x2080;
	[dreg:$0x8] =	wrdreg s11  }
0xa: {  	s13 =	simm.s32 $0x2880;
	[dreg:$0x9] =	wrdreg s12  }
0xb: {  	s14 =	simm.s32 $0x3080;
	s15 =	simm.s32 $0x3880;
	[dreg:$0xa] =	wrdreg s13  }
0xc: {  	s16 =	simm.s32 $0x4080;
	s17 =	simm.s32 $0x4880;
	[dreg:$0xb] =	wrdreg s14  }
0xd: {  	s18 =	simm.s32 $0x5080;
	s19 =	simm.s32 $0x5880;
	[dreg:$0xc] =	wrdreg s15  }
0xe: {  	s20 =	simm.s32 $0x6080;
	s22 =	simm.s32 $0x6880;
	[dreg:$0xd] =	wrdreg s16  }
0xf: {  	s23 =	simm.s32 $0x7080;
	s24 =	simm.s32 $0x7880;
	[dreg:$0xe] =	wrdreg s17  }
0x10: {  	s25 =	simm.s32 $0x8080;
	s26 =	simm.s32 $0x9880;
	[dreg:$0xf] =	wrdreg s18  }
0x11: {  	s28 =	simm.s32 $0x12080;
	s29 =	simm.s32 $0x12880;
	[dreg:$0x10] =	wrdreg s19  }
0x12: {  	s30 =	simm.s32 $0x13080;
	s2 =	ssub.s32 $0x2, s2;
	[dreg:$0x11] =	wrdreg s20  }
0x13: {  	s31 =	simm.s32 $0x13880;
	s21 =	sshrl.u32 s2, $0x1;
	[dreg:$0x12] =	wrdreg s22  }
0x14: {  	s7 =	smul.u32 $0x500, s5;
	s2 =	ssub.s32 s2, s21;
	[dreg:$0x13] =	wrdreg s23  }
0x15: {  	s5 =	sadd.s32 $0x200, s1;
	s21 =	simm.s32 $0xF080;
	[dreg:$0x14] =	wrdreg s24  }
0x16: {  	s4 =	sadd.s32 $0x100, s1;
	[dreg:$0x15] =	wrdreg s25;
	s9 =	simm.s32 $0x9080  }
0x17: {  	s10 =	simm.s32 $0x80;
	[dreg:$0x18] =	wrdreg s26;
	s12 =	simm.s32 $0xA880  }
0x18: {  	s13 =	simm.s32 $0xB080;
	s14 =	simm.s32 $0xB880;
	s15 =	simm.s32 $0xC080  }
0x19: {  	s16 =	simm.s32 $0xC880;
	s17 =	simm.s32 $0xD080;
	s18 =	simm.s32 $0xD880  }
0x1a: {  	s19 =	simm.s32 $0xE080;
	s20 =	simm.s32 $0xE880;
	s22 =	simm.s32 $0xF880  }
0x1b: {  	s23 =	simm.s32 $0x10080;
	s24 =	simm.s32 $0x10880;
	s25 =	simm.s32 $0x11080  }
0x1c: {  	s26 =	simm.s32 $0x11880;
	s6 =	sadd.s32 s7, s6;
	s7 =	sadd.s32 $0x400, s1  }
0x1d: {  	v2 =	vlaneseq.u32;
	[dreg:$0x17] =	wrdreg s9;
	s9 =	simm.s32 $0x2;
	s8 =	sadd.s32 $0x2800, s6  }
0x1e: {  	vm0 =	vmmov $0xffff;
	v1 =	vshrl.u32 v2, $0x3;
	s6 =	sadd.s32 $0x300, s1;
	[dreg:$0x5] =	wrdreg s8;
	s8 =	simm.s32 $0x8880  }
0x1f: {  	v0 =	vand.u32 $0x7, v2;
	v2 =	vor.u32 $0x8, v2;
	v1 =	vmul.u32 $0x8, v1;
	[dreg:$0x16] =	wrdreg s8;
	s8 =	smax.u32 s2, $0x1;
	s2 =	simm.s32 $0x1  }
.LBB2_1:
0x20: {  	s0 =	rddreg [dreg:$0x4]  }
0x21: {  	[tilespmem:s3], [sflag:$0x2] =	stream.linear.gather [hbm4b:s0+s3], $0x40, $0x38;
	[tilespmem:$0x14080] =	vst v63  }
0x22: {  	_ =	swait.ge [sflag:s9], $0x40  }
0x23: {  	[sflag:s9] =	ssyncset.done $0x0  }
0x24: {  	[sflag:s9] =	ssyncadd.s32 $0xFFFFFFC0  }
0x25: {  	v3 =	vld [tilespmem:$0x0];
	_ =	sdelay $0x4  }
0x26: {  	v4 =	vshrl.u32 v3, $0x3  }
0x27: {  	v4 =	vmul.u32 $0x50, v4  }
0x28: {  	v3 =	vand.u32 $0x7, v3  }
0x29: {  	v3 =	vor.u32 v3, v4  }
0x2a: {  	v4 =	vperm.xlane v3, v0;
	_ =	sdelay $0x1  }
0x2b: {  	v4 =	vadd.s32 v1, v4;
	_ =	sdelay $0x4  }
0x2c: {  	[tilespmem:s10], [sflag:$0x1] =	stream.indirect_vreg.gather [hbm4b:s1+s3], $0x80, v4, vm0, $0xb8;
	[tilespmem:$0x14080] =	vst v63  }
0x2d: {  	s0 =	rddreg [dreg:$0x6]  }
0x2e: {  	[tilespmem:s0], [sflag:$0x1] =	stream.indirect_vreg.gather [hbm4b:s4+s3], $0x80, v4, vm0, $0xb8;
	[tilespmem:$0x14080] =	vst v63  }
0x2f: {  	s11 =	rddreg [dreg:$0x7];
	v3 =	vperm.xlane v3, v2  }
0x30: {  	[tilespmem:s11], [sflag:$0x1] =	stream.indirect_vreg.gather [hbm4b:s5+s3], $0x80, v4, vm0, $0xb8;
	[tilespmem:$0x14080] =	vst v63  }
0x31: {  	v3 =	vadd.s32 v1, v3;
	s0 =	rddreg [dreg:$0x8]  }
0x32: {  	[tilespmem:s0], [sflag:$0x1] =	stream.indirect_vreg.gather [hbm4b:s6+s3], $0x80, v4, vm0, $0xb8;
	[tilespmem:$0x14080] =	vst v63  }
0x33: {  	s11 =	rddreg [dreg:$0x9]  }
0x34: {  	[tilespmem:s11], [sflag:$0x1] =	stream.indirect_vreg.gather [hbm4b:s7+s3], $0x80, v4, vm0, $0xb8;
	[tilespmem:$0x14080] =	vst v63  }
0x35: {  	s0 =	rddreg [dreg:$0xa]  }
0x36: {  	[tilespmem:s0], [sflag:$0x1] =	stream.indirect_vreg.gather [hbm4b:s1+s3], $0x80, v3, vm0, $0xb8;
	[tilespmem:$0x14080] =	vst v63  }
0x37: {  	s11 =	rddreg [dreg:$0xb]  }
0x38: {  	[tilespmem:s11], [sflag:$0x1] =	stream.indirect_vreg.gather [hbm4b:s4+s3], $0x80, v3, vm0, $0xb8;
	[tilespmem:$0x14080] =	vst v63  }
0x39: {  	s0 =	rddreg [dreg:$0xc]  }
0x3a: {  	[tilespmem:s0], [sflag:$0x1] =	stream.indirect_vreg.gather [hbm4b:s5+s3], $0x80, v3, vm0, $0xb8;
	[tilespmem:$0x14080] =	vst v63  }
0x3b: {  	s11 =	rddreg [dreg:$0xd]  }
0x3c: {  	[tilespmem:s11], [sflag:$0x1] =	stream.indirect_vreg.gather [hbm4b:s6+s3], $0x80, v3, vm0, $0xb8;
	[tilespmem:$0x14080] =	vst v63  }
0x3d: {  	s0 =	rddreg [dreg:$0xe]  }
0x3e: {  	[tilespmem:s0], [sflag:$0x1] =	stream.indirect_vreg.gather [hbm4b:s7+s3], $0x80, v3, vm0, $0xb8;
	[tilespmem:$0x14080] =	vst v63  }
0x3f: {  	v3 =	vld [tilespmem:$0x10];
	_ =	sdelay $0x4  }
0x40: {  	v61 =	vshrl.u32 v3, $0x3  }
0x41: {  	v4 =	vmul.u32 $0x50, v61  }
0x42: {  	v3 =	vand.u32 $0x7, v3  }
0x43: {  	v3 =	vor.u32 v3, v4  }
0x44: {  	v4 =	vperm.xlane v3, v0;
	_ =	sdelay $0x1  }
0x45: {  	v4 =	vadd.s32 v1, v4;
	_ =	sdelay $0x3  }
0x46: {  	s0 =	rddreg [dreg:$0xf]  }
0x47: {  	[tilespmem:s0], [sflag:$0x1] =	stream.indirect_vreg.gather [hbm4b:s1+s3], $0x80, v4, vm0, $0xb8;
	[tilespmem:$0x14080] =	vst v63  }
0x48: {  	s11 =	rddreg [dreg:$0x10]  }
0x49: {  	[tilespmem:s11], [sflag:$0x1] =	stream.indirect_vreg.gather [hbm4b:s4+s3], $0x80, v4, vm0, $0xb8;
	[tilespmem:$0x14080] =	vst v63  }
0x4a: {  	v3 =	vperm.xlane v3, v2;
	s0 =	rddreg [dreg:$0x11]  }
0x4b: {  	[tilespmem:s0], [sflag:$0x1] =	stream.indirect_vreg.gather [hbm4b:s5+s3], $0x80, v4, vm0, $0xb8;
	[tilespmem:$0x14080] =	vst v63  }
0x4c: {  	v3 =	vadd.s32 v1, v3;
	s11 =	rddreg [dreg:$0x12]  }
0x4d: {  	[tilespmem:s11], [sflag:$0x1] =	stream.indirect_vreg.gather [hbm4b:s6+s3], $0x80, v4, vm0, $0xb8;
	[tilespmem:$0x14080] =	vst v63  }
0x4e: {  	s0 =	rddreg [dreg:$0x13]  }
0x4f: {  	[tilespmem:s0], [sflag:$0x1] =	stream.indirect_vreg.gather [hbm4b:s7+s3], $0x80, v4, vm0, $0xb8;
	[tilespmem:$0x14080] =	vst v63  }
0x50: {  	s11 =	rddreg [dreg:$0x14]  }
0x51: {  	[tilespmem:s11], [sflag:$0x1] =	stream.indirect_vreg.gather [hbm4b:s1+s3], $0x80, v3, vm0, $0xb8;
	[tilespmem:$0x14080] =	vst v63  }
0x52: {  	s0 =	rddreg [dreg:$0x15]  }
0x53: {  	[tilespmem:s0], [sflag:$0x1] =	stream.indirect_vreg.gather [hbm4b:s4+s3], $0x80, v3, vm0, $0xb8;
	[tilespmem:$0x14080] =	vst v63  }
0x54: {  	s11 =	rddreg [dreg:$0x16]  }
0x55: {  	[tilespmem:s11], [sflag:$0x1] =	stream.indirect_vreg.gather [hbm4b:s5+s3], $0x80, v3, vm0, $0xb8;
	[tilespmem:$0x14080] =	vst v63  }
0x56: {  	s0 =	rddreg [dreg:$0x17]  }
0x57: {  	[tilespmem:s0], [sflag:$0x1] =	stream.indirect_vreg.gather [hbm4b:s6+s3], $0x80, v3, vm0, $0xb8;
	[tilespmem:$0x14080] =	vst v63  }
0x58: {  	s11 =	rddreg [dreg:$0x18]  }
0x59: {  	[tilespmem:s11], [sflag:$0x1] =	stream.indirect_vreg.gather [hbm4b:s7+s3], $0x80, v3, vm0, $0xb8;
	[tilespmem:$0x14080] =	vst v63  }
0x5a: {  	v3 =	vld [tilespmem:$0x20];
	_ =	sdelay $0x4  }
0x5b: {  	v62 =	vshrl.u32 v3, $0x3  }
0x5c: {  	v4 =	vmul.u32 $0x50, v62  }
0x5d: {  	v3 =	vand.u32 $0x7, v3  }
0x5e: {  	v3 =	vor.u32 v3, v4  }
0x5f: {  	v4 =	vperm.xlane v3, v0;
	_ =	sdelay $0x1  }
0x60: {  	v4 =	vadd.s32 v1, v4;
	_ =	sdelay $0x3  }
0x61: {  	s11 =	simm.s32 $0xA080  }
0x62: {  	[tilespmem:s11], [sflag:$0x1] =	stream.indirect_vreg.gather [hbm4b:s1+s3], $0x80, v4, vm0, $0xb8;
	[tilespmem:$0x14080] =	vst v63  }
0x63: {  	_ = 	snop  }
0x64: {  	[tilespmem:s12], [sflag:$0x1] =	stream.indirect_vreg.gather [hbm4b:s4+s3], $0x80, v4, vm0, $0xb8;
	[tilespmem:$0x14080] =	vst v63  }
0x65: {  	v3 =	vperm.xlane v3, v2  }
0x66: {  	[tilespmem:s13], [sflag:$0x1] =	stream.indirect_vreg.gather [hbm4b:s5+s3], $0x80, v4, vm0, $0xb8;
	[tilespmem:$0x14080] =	vst v63  }
0x67: {  	v3 =	vadd.s32 v1, v3  }
0x68: {  	[tilespmem:s14], [sflag:$0x1] =	stream.indirect_vreg.gather [hbm4b:s6+s3], $0x80, v4, vm0, $0xb8;
	[tilespmem:$0x14080] =	vst v63  }
0x69: {  	_ = 	snop  }
0x6a: {  	[tilespmem:s15], [sflag:$0x1] =	stream.indirect_vreg.gather [hbm4b:s7+s3], $0x80, v4, vm0, $0xb8;
	[tilespmem:$0x14080] =	vst v63  }
0x6b: {  	_ = 	snop  }
0x6c: {  	[tilespmem:s16], [sflag:$0x1] =	stream.indirect_vreg.gather [hbm4b:s1+s3], $0x80, v3, vm0, $0xb8;
	[tilespmem:$0x14080] =	vst v63  }
0x6d: {  	_ = 	snop  }
0x6e: {  	[tilespmem:s17], [sflag:$0x1] =	stream.indirect_vreg.gather [hbm4b:s4+s3], $0x80, v3, vm0, $0xb8;
	[tilespmem:$0x14080] =	vst v63  }
0x6f: {  	_ = 	snop  }
0x70: {  	[tilespmem:s18], [sflag:$0x1] =	stream.indirect_vreg.gather [hbm4b:s5+s3], $0x80, v3, vm0, $0xb8;
	[tilespmem:$0x14080] =	vst v63  }
0x71: {  	_ = 	snop  }
0x72: {  	[tilespmem:s19], [sflag:$0x1] =	stream.indirect_vreg.gather [hbm4b:s6+s3], $0x80, v3, vm0, $0xb8;
	[tilespmem:$0x14080] =	vst v63  }
0x73: {  	_ = 	snop  }
0x74: {  	[tilespmem:s20], [sflag:$0x1] =	stream.indirect_vreg.gather [hbm4b:s7+s3], $0x80, v3, vm0, $0xb8;
	[tilespmem:$0x14080] =	vst v63  }
0x75: {  	v3 =	vld [tilespmem:$0x30];
	_ =	sdelay $0x4  }
0x76: {  	v63 =	vshrl.u32 v3, $0x3  }
0x77: {  	v4 =	vmul.u32 $0x50, v63  }
0x78: {  	v3 =	vand.u32 $0x7, v3  }
0x79: {  	v3 =	vor.u32 v3, v4  }
0x7a: {  	v4 =	vperm.xlane v3, v0;
	_ =	sdelay $0x1  }
0x7b: {  	v4 =	vadd.s32 v1, v4;
	_ =	sdelay $0x4  }
0x7c: {  	[tilespmem:s21], [sflag:$0x1] =	stream.indirect_vreg.gather [hbm4b:s1+s3], $0x80, v4, vm0, $0xb8;
	[tilespmem:$0x14080] =	vst v63  }
0x7d: {  	_ = 	snop  }
0x7e: {  	[tilespmem:s22], [sflag:$0x1] =	stream.indirect_vreg.gather [hbm4b:s4+s3], $0x80, v4, vm0, $0xb8;
	[tilespmem:$0x14080] =	vst v63  }
0x7f: {  	v3 =	vperm.xlane v3, v2  }
0x80: {  	[tilespmem:s23], [sflag:$0x1] =	stream.indirect_vreg.gather [hbm4b:s5+s3], $0x80, v4, vm0, $0xb8;
	[tilespmem:$0x14080] =	vst v63  }
0x81: {  	v3 =	vadd.s32 v1, v3  }
0x82: {  	[tilespmem:s24], [sflag:$0x1] =	stream.indirect_vreg.gather [hbm4b:s6+s3], $0x80, v4, vm0, $0xb8;
	[tilespmem:$0x14080] =	vst v63  }
0x83: {  	_ = 	snop  }
0x84: {  	[tilespmem:s25], [sflag:$0x1] =	stream.indirect_vreg.gather [hbm4b:s7+s3], $0x80, v4, vm0, $0xb8;
	[tilespmem:$0x14080] =	vst v63  }
0x85: {  	_ = 	snop  }
0x86: {  	[tilespmem:s26], [sflag:$0x1] =	stream.indirect_vreg.gather [hbm4b:s1+s3], $0x80, v3, vm0, $0xb8;
	[tilespmem:$0x14080] =	vst v63  }
0x87: {  	_ = 	snop  }
0x88: {  	[tilespmem:s28], [sflag:$0x1] =	stream.indirect_vreg.gather [hbm4b:s4+s3], $0x80, v3, vm0, $0xb8;
	[tilespmem:$0x14080] =	vst v63  }
0x89: {  	_ = 	snop  }
0x8a: {  	[tilespmem:s29], [sflag:$0x1] =	stream.indirect_vreg.gather [hbm4b:s5+s3], $0x80, v3, vm0, $0xb8;
	[tilespmem:$0x14080] =	vst v63  }
0x8b: {  	_ = 	snop  }
0x8c: {  	[tilespmem:s30], [sflag:$0x1] =	stream.indirect_vreg.gather [hbm4b:s6+s3], $0x80, v3, vm0, $0xb8;
	[tilespmem:$0x14080] =	vst v63  }
0x8d: {  	_ = 	snop  }
0x8e: {  	[tilespmem:s31], [sflag:$0x1] =	stream.indirect_vreg.gather [hbm4b:s7+s3], $0x80, v3, vm0, $0xb8;
	[tilespmem:$0x14080] =	vst v63  }
0x8f: {  	_ =	swait.ge [sflag:s2], $0x14000  }
0x90: {  	p0 =	sne.s32 s8, $0x1;
	[sflag:s2] =	ssyncset.done $0x0  }
.Ltmp0:
0x91: {  	s11 =	rddreg [dreg:$0x5];
	[sflag:s2] =	ssyncadd.s32 $0xFFFEC000;
	(pc) =	sbr.rel @p0 .LBB2_1-.Ltmp0, $4  }
0x92: {  	[hbm4b:s11+s3] =	stream.linear.scatter [tilespmem:s10], [sflag:$0x2], $0x14000, $0x38;
	[tilespmem:$0x14080] =	vst v63  }
0x93: {  	_ =	swait.ge [sflag:s9], $0x14000  }
0x94: {  	[sflag:s9] =	ssyncset.done $0x0  }
0x95: {  	s8 =	sadd.s32 $0xFFFFFFFF, s8;
	[sflag:s9] =	ssyncadd.s32 $0xFFFEC000  }
0x96: {  	_ =	sfence.sel $0x180000  }
0x97: {  	[bflag:$0x0] =	sbarrier.arrive $0xFFFF  }
0x98: {  	_ =	strace $0x90000047  }
0x99: {  	s0 =	stileid.u32;
	[bflag:$0x2] =	sbarrier.arrive $0xFFFF  }
0x9a: {  	p0 =	sne.s32 s0, $0x0;
	s0 =	rddreg [dreg:$0x3]  }
0x9b: {  	s0 =	sadd.s32 @!p0 $0x100000, s0  }
0x9c: {  	[sflag:s0] =	ssyncadd.tile.s32 @!p0 $0x1;
	_ =	shalt  }
.Lfunc_end2:
_tile_overlayer_lowered:
.L_overlay_start_2:
0x9d: {  	(tag) =	ssettag $0x2  }
0x9e: {  	s0 =	rddreg [dreg:$0x0];
	s2 =	stileid.u32  }
0x9f: {  	s1 =	rddreg [dreg:$0x1];
	p0 =	sne.s32 s2, $0x0  }
0xa0: {  	s3 =	rddreg [dreg:$0x2];
	[bflag:$0x3] =	sbarrier.arrive $0xFFFF;
	s2 =	simm.s32 @!p0 $0x1C02  }
0xa1: {  	[timem:s3], [sflag:s2] =	dma.local @!p0 [hbm:s0], s1  }
0xa2: {  	s0 =	simm.s32 @!p0 $0x2  }
0xa3: {  	_ =	swait.ge @!p0 [sflag:s0], s1  }
0xa4: {  	s1 =	ssub.s32 @!p0 $0x0, s1;
	[sflag:s0] =	ssyncset.done @!p0 $0x0  }
0xa5: {  	[sflag:s0] =	ssyncadd.s32 @!p0 s1  }
0xa6: {  	[bflag:$0x3] =	sbarrier.arrive $0xFFFF  }
0xa7: {  	_ =	shalt  }

</sc_bundles>
